<compile_context>
chip_gen: v7x
topology: tpu7x:2x2x1
jax: 0.10.2.dev20260603
libtpu: 0.0.44.dev20260713+nightly
codegen_flags: <defaults>
</compile_context>

<pallas_src>
import functools
import jax
import jax.numpy as jnp
from jax import lax
from jax.experimental import pallas as pl
from jax.experimental.pallas import tpu as pltpu
from jax.experimental.pallas import tpu_sc as plsc

L = 16
UNROLL = 8


def kernel(x):
    n, m = x.shape
    info = plsc.get_sparse_core_info()
    nw = info.num_cores * info.num_subcores
    rows_per_w = n // nw
    mesh = plsc.VectorSubcoreMesh(core_axis_name="c", subcore_axis_name="s")

    @functools.partial(
        pl.kernel,
        mesh=mesh,
        out_type=jax.ShapeDtypeStruct((n, m), jnp.float32),
        scratch_types=[
            pltpu.VMEM((m,), jnp.float32),
            pltpu.VMEM((m,), jnp.float32),
        ],
        compiler_params=pltpu.CompilerParams(needs_layout_passes=False),
    )
    def k(x_hbm, o_hbm, buf_in, buf_out):
        wid = lax.axis_index("s") * info.num_cores + lax.axis_index("c")
        base = wid * rows_per_w

        def row_body(r, _unused):
            row = base + r
            pltpu.sync_copy(x_hbm.at[row], buf_in)

            def chunk(i, carry):
                b = i * (L * UNROLL)
                scans = []
                sums = []
                for u in range(UNROLL):
                    v = buf_in[pl.ds(b + u * L, L)]
                    scans.append(plsc.cumsum(v))
                    sums.append(jnp.sum(v, axis=0))
                c = carry
                for u in range(UNROLL):
                    buf_out[pl.ds(b + u * L, L)] = scans[u] + c
                    c = c + sums[u]
                return c

            lax.fori_loop(0, m // (L * UNROLL), chunk, jnp.float32(0.0))
            pltpu.sync_copy(buf_out, o_hbm.at[row])
            return _unused

        lax.fori_loop(0, rows_per_w, row_body, jnp.int32(0))

    return k(x)

# --- scband reference (transcript-rebuilt; emitter-appended) ---
"""Pipeline reference for scband-model-new-23656679867176 (READ-ONLY COPY).

The authoritative reference and input builder live on the scoring server;
editing this copy changes nothing except your own understanding.
"""

import jax, jax.numpy as jnp
import numpy as np


def setup_inputs(seed: int = 0) -> dict:
    key = jax.random.key(seed)
    x = jax.random.normal(key, (4096, 32768), dtype=jnp.float32)
    return {"x": x}


def reference(x):
    # Faithful translation of the CUDA row-wise inclusive prefix sum:
    # cumulative sum along dim=1 of a 2D tensor.
    return jnp.cumsum(x, axis=1)

if __name__ == "__main__":
    import jax
    _d = setup_inputs()
    print(jax.jit(kernel)(*tuple(_d.values())))

</pallas_src>

<mosaic_0001>
#map = affine_map<(d0, d1) -> (0, 0)>
module attributes {stable_mosaic.version = 14 : i64} {
  func.func @k(%arg0: i32, %arg1: i32, %arg2: memref<4096x32768xf32, #tpu.memory_space<hbm>>, %arg3: memref<4096x32768xf32, #tpu.memory_space<hbm>>, %arg4: memref<32768xf32, #tpu.memory_space<vmem>>, %arg5: memref<32768xf32, #tpu.memory_space<vmem>>) attributes {dimension_semantics = [#tpu.dimension_semantics<core_parallel>, #tpu.dimension_semantics<subcore_parallel>], iteration_bounds = array<i64: 2, 16>, scalar_prefetch = 0 : i64, scratch_operands = 2 : i64, tpu.core_type = #tpu.core_type<sc_vector_subcore>, window_params = [{transform_indices = #map}, {transform_indices = #map}]} {
    %mul3A = arith.constant 2 : i32
    %mul3A_0 = arith.muli %arg1, %mul3A : i32
    %add3A = arith.addi %mul3A_0, %arg0 : i32
    %mul3A_1 = arith.constant 128 : i32
    %mul3A_2 = arith.muli %add3A, %mul3A_1 : i32
    %scan3A = arith.constant 0 : i32
    %scan3A_3 = arith.constant 0 : i32
    %scan3A_4 = arith.constant 128 : i32
    %scan3A_5 = arith.addi %scan3A_3, %scan3A_4 : i32
    %scan3A_6 = arith.constant 1 : i32
    scf.for %scan3A_8 = %scan3A_3 to %scan3A_5 step %scan3A_6  : i32 {
      %add3A_9 = arith.addi %mul3A_2, %scan3A_8 : i32
      "tpu.region"() ({
        %run_scoped3A = tpu.sem_alloc : memref<!tpu.dma_semaphore, #tpu.memory_space<semaphore_mem>>
        %dma_start3A = arith.constant 0 : i32
        %dma_start3A_17 = tpu.memref_slice %arg2[%add3A_9, %dma_start3A] : memref<4096x32768xf32, #tpu.memory_space<hbm>> -> memref<1x32768xf32, #tpu.memory_space<hbm>>
        %dma_start3A_18 = tpu.memref_squeeze %dma_start3A_17 : memref<1x32768xf32, #tpu.memory_space<hbm>> -> memref<32768xf32, #tpu.memory_space<hbm>>
        %dma_start3A_19 = arith.constant 0 : i32
        %dma_start3A_20 = tpu.memref_slice %arg2[%add3A_9, %dma_start3A_19] : memref<4096x32768xf32, #tpu.memory_space<hbm>> -> memref<1x32768xf32, #tpu.memory_space<hbm>>
        %dma_start3A_21 = tpu.memref_squeeze %dma_start3A_20 : memref<1x32768xf32, #tpu.memory_space<hbm>> -> memref<32768xf32, #tpu.memory_space<hbm>>
        tpu.enqueue_dma source(%dma_start3A_21 : memref<32768xf32, #tpu.memory_space<hbm>>) target(%arg4 : memref<32768xf32, #tpu.memory_space<vmem>>) target_semaphore(%run_scoped3A : memref<!tpu.dma_semaphore, #tpu.memory_space<semaphore_mem>>)
        %dma_wait3A = arith.constant 0 : i32
        %dma_wait3A_22 = tpu.memref_slice %arg2[%add3A_9, %dma_wait3A] : memref<4096x32768xf32, #tpu.memory_space<hbm>> -> memref<1x32768xf32, #tpu.memory_space<hbm>>
        %dma_wait3A_23 = tpu.memref_squeeze %dma_wait3A_22 : memref<1x32768xf32, #tpu.memory_space<hbm>> -> memref<32768xf32, #tpu.memory_space<hbm>>
        %dma_wait3A_24 = arith.constant 0 : i32
        %dma_wait3A_25 = tpu.memref_slice %arg2[%add3A_9, %dma_wait3A_24] : memref<4096x32768xf32, #tpu.memory_space<hbm>> -> memref<1x32768xf32, #tpu.memory_space<hbm>>
        %dma_wait3A_26 = tpu.memref_squeeze %dma_wait3A_25 : memref<1x32768xf32, #tpu.memory_space<hbm>> -> memref<32768xf32, #tpu.memory_space<hbm>>
        tpu.wait_dma2 semaphore(%run_scoped3A : memref<!tpu.dma_semaphore, #tpu.memory_space<semaphore_mem>>) src(%dma_wait3A_26 : memref<32768xf32, #tpu.memory_space<hbm>>) dst(%arg4 : memref<32768xf32, #tpu.memory_space<vmem>>)
        tpu.yield
      }) : () -> ()
      %scan3A_10 = arith.constant 0.000000e+00 : f32
      %scan3A_11 = arith.constant 0 : i32
      %scan3A_12 = arith.constant 256 : i32
      %scan3A_13 = arith.addi %scan3A_11, %scan3A_12 : i32
      %scan3A_14 = arith.constant 1 : i32
      %scan3A_15 = scf.for %scan3A_17 = %scan3A_11 to %scan3A_13 step %scan3A_14 iter_args(%scan3A_18 = %scan3A_10) -> (f32)  : i32 {
        %mul3A_19 = arith.constant 128 : i32
        %mul3A_20 = arith.muli %scan3A_17, %mul3A_19 : i32
        %add3A_21 = arith.constant 0 : i32
        %add3A_22 = arith.addi %mul3A_20, %add3A_21 : i32
        %get3A = arith.index_cast %add3A_22 : i32 to index
        %get3A_23 = tpu.vector_load %arg4[%get3A] {strides = array<i32>} : memref<32768xf32, #tpu.memory_space<vmem>>, vector<16xf32>,
        %broadcast_in_dim3A = arith.constant true
        %broadcast_in_dim3A_24 = vector.broadcast %broadcast_in_dim3A : i1 to vector<16xi1>
        %masked_cumsum3A = tpu.scan <sum>, %get3A_23 masked %broadcast_in_dim3A_24 : vector<16xf32>, vector<16xi1> -> vector<16xf32>
        %reduce_sum3A = arith.constant true
        %reduce_sum3A_25 = vector.broadcast %reduce_sum3A : i1 to vector<16xi1>
        %reduce_sum3A_26 = tpu.scan <sum>, %get3A_23 masked %reduce_sum3A_25 : vector<16xf32>, vector<16xi1> -> vector<16xf32>
        %reduce_sum3A_27 = vector.extract %reduce_sum3A_26[15] : f32 from vector<16xf32>
        %add3A_28 = arith.constant 16 : i32
        %add3A_29 = arith.addi %mul3A_20, %add3A_28 : i32
        %get3A_30 = arith.index_cast %add3A_29 : i32 to index
        %get3A_31 = tpu.vector_load %arg4[%get3A_30] {strides = array<i32>} : memref<32768xf32, #tpu.memory_space<vmem>>, vector<16xf32>,
        %broadcast_in_dim3A_32 = arith.constant true
        %broadcast_in_dim3A_33 = vector.broadcast %broadcast_in_dim3A_32 : i1 to vector<16xi1>
        %masked_cumsum3A_34 = tpu.scan <sum>, %get3A_31 masked %broadcast_in_dim3A_33 : vector<16xf32>, vector<16xi1> -> vector<16xf32>
        %reduce_sum3A_35 = arith.constant true
        %reduce_sum3A_36 = vector.broadcast %reduce_sum3A_35 : i1 to vector<16xi1>
        %reduce_sum3A_37 = tpu.scan <sum>, %get3A_31 masked %reduce_sum3A_36 : vector<16xf32>, vector<16xi1> -> vector<16xf32>
        %reduce_sum3A_38 = vector.extract %reduce_sum3A_37[15] : f32 from vector<16xf32>
        %add3A_39 = arith.constant 32 : i32
        %add3A_40 = arith.addi %mul3A_20, %add3A_39 : i32
        %get3A_41 = arith.index_cast %add3A_40 : i32 to index
        %get3A_42 = tpu.vector_load %arg4[%get3A_41] {strides = array<i32>} : memref<32768xf32, #tpu.memory_space<vmem>>, vector<16xf32>,
        %broadcast_in_dim3A_43 = arith.constant true
        %broadcast_in_dim3A_44 = vector.broadcast %broadcast_in_dim3A_43 : i1 to vector<16xi1>
        %masked_cumsum3A_45 = tpu.scan <sum>, %get3A_42 masked %broadcast_in_dim3A_44 : vector<16xf32>, vector<16xi1> -> vector<16xf32>
        %reduce_sum3A_46 = arith.constant true
        %reduce_sum3A_47 = vector.broadcast %reduce_sum3A_46 : i1 to vector<16xi1>
        %reduce_sum3A_48 = tpu.scan <sum>, %get3A_42 masked %reduce_sum3A_47 : vector<16xf32>, vector<16xi1> -> vector<16xf32>
        %reduce_sum3A_49 = vector.extract %reduce_sum3A_48[15] : f32 from vector<16xf32>
        %add3A_50 = arith.constant 48 : i32
        %add3A_51 = arith.addi %mul3A_20, %add3A_50 : i32
        %get3A_52 = arith.index_cast %add3A_51 : i32 to index
        %get3A_53 = tpu.vector_load %arg4[%get3A_52] {strides = array<i32>} : memref<32768xf32, #tpu.memory_space<vmem>>, vector<16xf32>,
        %broadcast_in_dim3A_54 = arith.constant true
        %broadcast_in_dim3A_55 = vector.broadcast %broadcast_in_dim3A_54 : i1 to vector<16xi1>
        %masked_cumsum3A_56 = tpu.scan <sum>, %get3A_53 masked %broadcast_in_dim3A_55 : vector<16xf32>, vector<16xi1> -> vector<16xf32>
        %reduce_sum3A_57 = arith.constant true
        %reduce_sum3A_58 = vector.broadcast %reduce_sum3A_57 : i1 to vector<16xi1>
        %reduce_sum3A_59 = tpu.scan <sum>, %get3A_53 masked %reduce_sum3A_58 : vector<16xf32>, vector<16xi1> -> vector<16xf32>
        %reduce_sum3A_60 = vector.extract %reduce_sum3A_59[15] : f32 from vector<16xf32>
        %add3A_61 = arith.constant 64 : i32
        %add3A_62 = arith.addi %mul3A_20, %add3A_61 : i32
        %get3A_63 = arith.index_cast %add3A_62 : i32 to index
        %get3A_64 = tpu.vector_load %arg4[%get3A_63] {strides = array<i32>} : memref<32768xf32, #tpu.memory_space<vmem>>, vector<16xf32>,
        %broadcast_in_dim3A_65 = arith.constant true
        %broadcast_in_dim3A_66 = vector.broadcast %broadcast_in_dim3A_65 : i1 to vector<16xi1>
        %masked_cumsum3A_67 = tpu.scan <sum>, %get3A_64 masked %broadcast_in_dim3A_66 : vector<16xf32>, vector<16xi1> -> vector<16xf32>
        %reduce_sum3A_68 = arith.constant true
        %reduce_sum3A_69 = vector.broadcast %reduce_sum3A_68 : i1 to vector<16xi1>
        %reduce_sum3A_70 = tpu.scan <sum>, %get3A_64 masked %reduce_sum3A_69 : vector<16xf32>, vector<16xi1> -> vector<16xf32>
        %reduce_sum3A_71 = vector.extract %reduce_sum3A_70[15] : f32 from vector<16xf32>
        %add3A_72 = arith.constant 80 : i32
        %add3A_73 = arith.addi %mul3A_20, %add3A_72 : i32
        %get3A_74 = arith.index_cast %add3A_73 : i32 to index
        %get3A_75 = tpu.vector_load %arg4[%get3A_74] {strides = array<i32>} : memref<32768xf32, #tpu.memory_space<vmem>>, vector<16xf32>,
        %broadcast_in_dim3A_76 = arith.constant true
        %broadcast_in_dim3A_77 = vector.broadcast %broadcast_in_dim3A_76 : i1 to vector<16xi1>
        %masked_cumsum3A_78 = tpu.scan <sum>, %get3A_75 masked %broadcast_in_dim3A_77 : vector<16xf32>, vector<16xi1> -> vector<16xf32>
        %reduce_sum3A_79 = arith.constant true
        %reduce_sum3A_80 = vector.broadcast %reduce_sum3A_79 : i1 to vector<16xi1>
        %reduce_sum3A_81 = tpu.scan <sum>, %get3A_75 masked %reduce_sum3A_80 : vector<16xf32>, vector<16xi1> -> vector<16xf32>
        %reduce_sum3A_82 = vector.extract %reduce_sum3A_81[15] : f32 from vector<16xf32>
        %add3A_83 = arith.constant 96 : i32
        %add3A_84 = arith.addi %mul3A_20, %add3A_83 : i32
        %get3A_85 = arith.index_cast %add3A_84 : i32 to index
        %get3A_86 = tpu.vector_load %arg4[%get3A_85] {strides = array<i32>} : memref<32768xf32, #tpu.memory_space<vmem>>, vector<16xf32>,
        %broadcast_in_dim3A_87 = arith.constant true
        %broadcast_in_dim3A_88 = vector.broadcast %broadcast_in_dim3A_87 : i1 to vector<16xi1>
        %masked_cumsum3A_89 = tpu.scan <sum>, %get3A_86 masked %broadcast_in_dim3A_88 : vector<16xf32>, vector<16xi1> -> vector<16xf32>
        %reduce_sum3A_90 = arith.constant true
        %reduce_sum3A_91 = vector.broadcast %reduce_sum3A_90 : i1 to vector<16xi1>
        %reduce_sum3A_92 = tpu.scan <sum>, %get3A_86 masked %reduce_sum3A_91 : vector<16xf32>, vector<16xi1> -> vector<16xf32>
        %reduce_sum3A_93 = vector.extract %reduce_sum3A_92[15] : f32 from vector<16xf32>
        %add3A_94 = arith.constant 112 : i32
        %add3A_95 = arith.addi %mul3A_20, %add3A_94 : i32
        %get3A_96 = arith.index_cast %add3A_95 : i32 to index
        %get3A_97 = tpu.vector_load %arg4[%get3A_96] {strides = array<i32>} : memref<32768xf32, #tpu.memory_space<vmem>>, vector<16xf32>,
        %broadcast_in_dim3A_98 = arith.constant true
        %broadcast_in_dim3A_99 = vector.broadcast %broadcast_in_dim3A_98 : i1 to vector<16xi1>
        %masked_cumsum3A_100 = tpu.scan <sum>, %get3A_97 masked %broadcast_in_dim3A_99 : vector<16xf32>, vector<16xi1> -> vector<16xf32>
        %reduce_sum3A_101 = arith.constant true
        %reduce_sum3A_102 = vector.broadcast %reduce_sum3A_101 : i1 to vector<16xi1>
        %reduce_sum3A_103 = tpu.scan <sum>, %get3A_97 masked %reduce_sum3A_102 : vector<16xf32>, vector<16xi1> -> vector<16xf32>
        %reduce_sum3A_104 = vector.extract %reduce_sum3A_103[15] : f32 from vector<16xf32>
        %add3A_105 = vector.broadcast %scan3A_18 : f32 to vector<16xf32>
        %add3A_106 = arith.addf %masked_cumsum3A, %add3A_105 : vector<16xf32>
        %add3A_107 = arith.constant 0 : i32
        %add3A_108 = arith.addi %mul3A_20, %add3A_107 : i32
        %swap3A = arith.index_cast %add3A_108 : i32 to index
        %swap3A_109 = tpu.vector_load %arg5[%swap3A] {strides = array<i32>} : memref<32768xf32, #tpu.memory_space<vmem>>, vector<16xf32>,
        tpu.vector_store %arg5[%swap3A], %add3A_106 {strides = array<i32>} : memref<32768xf32, #tpu.memory_space<vmem>>, vector<16xf32>,
        %add3A_110 = arith.addf %scan3A_18, %reduce_sum3A_27 : f32
        %add3A_111 = vector.broadcast %add3A_110 : f32 to vector<16xf32>
        %add3A_112 = arith.addf %masked_cumsum3A_34, %add3A_111 : vector<16xf32>
        %add3A_113 = arith.constant 16 : i32
        %add3A_114 = arith.addi %mul3A_20, %add3A_113 : i32
        %swap3A_115 = arith.index_cast %add3A_114 : i32 to index
        %swap3A_116 = tpu.vector_load %arg5[%swap3A_115] {strides = array<i32>} : memref<32768xf32, #tpu.memory_space<vmem>>, vector<16xf32>,
        tpu.vector_store %arg5[%swap3A_115], %add3A_112 {strides = array<i32>} : memref<32768xf32, #tpu.memory_space<vmem>>, vector<16xf32>,
        %add3A_117 = arith.addf %add3A_110, %reduce_sum3A_38 : f32
        %add3A_118 = vector.broadcast %add3A_117 : f32 to vector<16xf32>
        %add3A_119 = arith.addf %masked_cumsum3A_45, %add3A_118 : vector<16xf32>
        %add3A_120 = arith.constant 32 : i32
        %add3A_121 = arith.addi %mul3A_20, %add3A_120 : i32
        %swap3A_122 = arith.index_cast %add3A_121 : i32 to index
        %swap3A_123 = tpu.vector_load %arg5[%swap3A_122] {strides = array<i32>} : memref<32768xf32, #tpu.memory_space<vmem>>, vector<16xf32>,
        tpu.vector_store %arg5[%swap3A_122], %add3A_119 {strides = array<i32>} : memref<32768xf32, #tpu.memory_space<vmem>>, vector<16xf32>,
        %add3A_124 = arith.addf %add3A_117, %reduce_sum3A_49 : f32
        %add3A_125 = vector.broadcast %add3A_124 : f32 to vector<16xf32>
        %add3A_126 = arith.addf %masked_cumsum3A_56, %add3A_125 : vector<16xf32>
        %add3A_127 = arith.constant 48 : i32
        %add3A_128 = arith.addi %mul3A_20, %add3A_127 : i32
        %swap3A_129 = arith.index_cast %add3A_128 : i32 to index
        %swap3A_130 = tpu.vector_load %arg5[%swap3A_129] {strides = array<i32>} : memref<32768xf32, #tpu.memory_space<vmem>>, vector<16xf32>,
        tpu.vector_store %arg5[%swap3A_129], %add3A_126 {strides = array<i32>} : memref<32768xf32, #tpu.memory_space<vmem>>, vector<16xf32>,
        %add3A_131 = arith.addf %add3A_124, %reduce_sum3A_60 : f32
        %add3A_132 = vector.broadcast %add3A_131 : f32 to vector<16xf32>
        %add3A_133 = arith.addf %masked_cumsum3A_67, %add3A_132 : vector<16xf32>
        %add3A_134 = arith.constant 64 : i32
        %add3A_135 = arith.addi %mul3A_20, %add3A_134 : i32
        %swap3A_136 = arith.index_cast %add3A_135 : i32 to index
        %swap3A_137 = tpu.vector_load %arg5[%swap3A_136] {strides = array<i32>} : memref<32768xf32, #tpu.memory_space<vmem>>, vector<16xf32>,
        tpu.vector_store %arg5[%swap3A_136], %add3A_133 {strides = array<i32>} : memref<32768xf32, #tpu.memory_space<vmem>>, vector<16xf32>,
        %add3A_138 = arith.addf %add3A_131, %reduce_sum3A_71 : f32
        %add3A_139 = vector.broadcast %add3A_138 : f32 to vector<16xf32>
        %add3A_140 = arith.addf %masked_cumsum3A_78, %add3A_139 : vector<16xf32>
        %add3A_141 = arith.constant 80 : i32
        %add3A_142 = arith.addi %mul3A_20, %add3A_141 : i32
        %swap3A_143 = arith.index_cast %add3A_142 : i32 to index
        %swap3A_144 = tpu.vector_load %arg5[%swap3A_143] {strides = array<i32>} : memref<32768xf32, #tpu.memory_space<vmem>>, vector<16xf32>,
        tpu.vector_store %arg5[%swap3A_143], %add3A_140 {strides = array<i32>} : memref<32768xf32, #tpu.memory_space<vmem>>, vector<16xf32>,
        %add3A_145 = arith.addf %add3A_138, %reduce_sum3A_82 : f32
        %add3A_146 = vector.broadcast %add3A_145 : f32 to vector<16xf32>
        %add3A_147 = arith.addf %masked_cumsum3A_89, %add3A_146 : vector<16xf32>
        %add3A_148 = arith.constant 96 : i32
        %add3A_149 = arith.addi %mul3A_20, %add3A_148 : i32
        %swap3A_150 = arith.index_cast %add3A_149 : i32 to index
        %swap3A_151 = tpu.vector_load %arg5[%swap3A_150] {strides = array<i32>} : memref<32768xf32, #tpu.memory_space<vmem>>, vector<16xf32>,
        tpu.vector_store %arg5[%swap3A_150], %add3A_147 {strides = array<i32>} : memref<32768xf32, #tpu.memory_space<vmem>>, vector<16xf32>,
        %add3A_152 = arith.addf %add3A_145, %reduce_sum3A_93 : f32
        %add3A_153 = vector.broadcast %add3A_152 : f32 to vector<16xf32>
        %add3A_154 = arith.addf %masked_cumsum3A_100, %add3A_153 : vector<16xf32>
        %add3A_155 = arith.constant 112 : i32
        %add3A_156 = arith.addi %mul3A_20, %add3A_155 : i32
        %swap3A_157 = arith.index_cast %add3A_156 : i32 to index
        %swap3A_158 = tpu.vector_load %arg5[%swap3A_157] {strides = array<i32>} : memref<32768xf32, #tpu.memory_space<vmem>>, vector<16xf32>,
        tpu.vector_store %arg5[%swap3A_157], %add3A_154 {strides = array<i32>} : memref<32768xf32, #tpu.memory_space<vmem>>, vector<16xf32>,
        %add3A_159 = arith.addf %add3A_152, %reduce_sum3A_104 : f32
        scf.yield %add3A_159 : f32
      }
      %scan3A_16 = arith.constant 256 : i32
      "tpu.region"() ({
        %run_scoped3A = tpu.sem_alloc : memref<!tpu.dma_semaphore, #tpu.memory_space<semaphore_mem>>
        %dma_start3A = arith.constant 0 : i32
        %dma_start3A_17 = tpu.memref_slice %arg3[%add3A_9, %dma_start3A] : memref<4096x32768xf32, #tpu.memory_space<hbm>> -> memref<1x32768xf32, #tpu.memory_space<hbm>>
        %dma_start3A_18 = tpu.memref_squeeze %dma_start3A_17 : memref<1x32768xf32, #tpu.memory_space<hbm>> -> memref<32768xf32, #tpu.memory_space<hbm>>
        %dma_start3A_19 = arith.constant 0 : i32
        %dma_start3A_20 = tpu.memref_slice %arg3[%add3A_9, %dma_start3A_19] : memref<4096x32768xf32, #tpu.memory_space<hbm>> -> memref<1x32768xf32, #tpu.memory_space<hbm>>
        %dma_start3A_21 = tpu.memref_squeeze %dma_start3A_20 : memref<1x32768xf32, #tpu.memory_space<hbm>> -> memref<32768xf32, #tpu.memory_space<hbm>>
        tpu.enqueue_dma source(%arg5 : memref<32768xf32, #tpu.memory_space<vmem>>) target(%dma_start3A_21 : memref<32768xf32, #tpu.memory_space<hbm>>) target_semaphore(%run_scoped3A : memref<!tpu.dma_semaphore, #tpu.memory_space<semaphore_mem>>)
        %dma_wait3A = arith.constant 0 : i32
        %dma_wait3A_22 = tpu.memref_slice %arg3[%add3A_9, %dma_wait3A] : memref<4096x32768xf32, #tpu.memory_space<hbm>> -> memref<1x32768xf32, #tpu.memory_space<hbm>>
        %dma_wait3A_23 = tpu.memref_squeeze %dma_wait3A_22 : memref<1x32768xf32, #tpu.memory_space<hbm>> -> memref<32768xf32, #tpu.memory_space<hbm>>
        %dma_wait3A_24 = arith.constant 0 : i32
        %dma_wait3A_25 = tpu.memref_slice %arg3[%add3A_9, %dma_wait3A_24] : memref<4096x32768xf32, #tpu.memory_space<hbm>> -> memref<1x32768xf32, #tpu.memory_space<hbm>>
        %dma_wait3A_26 = tpu.memref_squeeze %dma_wait3A_25 : memref<1x32768xf32, #tpu.memory_space<hbm>> -> memref<32768xf32, #tpu.memory_space<hbm>>
        tpu.wait_dma2 semaphore(%run_scoped3A : memref<!tpu.dma_semaphore, #tpu.memory_space<semaphore_mem>>) src(%arg5 : memref<32768xf32, #tpu.memory_space<vmem>>) dst(%dma_wait3A_26 : memref<32768xf32, #tpu.memory_space<hbm>>)
        tpu.yield
      }) : () -> ()
    }
    %scan3A_7 = arith.constant 128 : i32
    return
  }
}

</mosaic_0001>

<sc_bundles>
// kernel: kernel.3.cloned.1.call-start
scs
__scs_entry_jumppad:
0x0: {  	(pc) =	sbr.rel $0x88, $3  }
0x1: {  	(tag) =	ssettag $0x0;
	lr =	simm.s32 $0x1  }
0x2: {  	[smem:$0x3FA0] =	sst lr;
	_ =	strace $0xD0000000  }
0x3: {  	_ = 	snop  }
0x4: {  	_ = 	snop  }
0x5: {  	_ = 	snop  }
0x6: {  	_ = 	snop  }
0x7: {  	_ = 	snop  }
__scs_overlays_trampoline_lowered:
0x8: {  	[smem:$0x3FAF] =	sst s0  }
0x9: {  	[smem:$0x3FB0] =	sst s1  }
0xa: {  	[smem:$0x3FB1] =	sst s2  }
0xb: {  	[smem:$0x3FB2] =	sst s3  }
0xc: {  	[smem:$0x3FB3] =	sst s4  }
0xd: {  	[smem:$0x3FB4] =	sst s5  }
0xe: {  	[smem:$0x3FB5] =	sst s6  }
0xf: {  	[smem:$0x3FB6] =	sst s7  }
0x10: {  	[smem:$0x3FB7] =	sst s8  }
0x11: {  	[smem:$0x3FB8] =	sst s9;
	s0 =	simm.s32 @!p0 $0x0  }
0x12: {  	s1 =	sld [smem:$0x3F9E];
	s0 =	simm.s32 @p0 $0x1  }
0x13: {  	[smem:$0x3FB9] =	sst s0;
	s0 =	simm.s32 @!p1 $0x0  }
0x14: {  	s2 =	sld [smem:$0x3F9D];
	s0 =	simm.s32 @p1 $0x1  }
0x15: {  	[smem:$0x3FBA] =	sst s0;
	s0 =	simm.s32 @!p2 $0x0  }
0x16: {  	s3 =	sld [smem:$0x3FDB];
	s0 =	simm.s32 @p2 $0x1  }
0x17: {  	s4 =	simm.s32 $0x1BF5;
	[smem:$0x3FBC] =	sst s0  }
0x18: {  	s0 =	sld [smem:$0x3F9F];
	_ =	swait.ge [sflag:s4], $0x0  }
0x19: {  	s7 =	sld [smem:$0x3FA0]  }
0x1a: {  	s8 =	sadd.s32 $0xFFFFE003, lr  }
0x1b: {  	s9 =	sadd.s32 $0xFFFFFEF7, lr;
	s5 =	simm.s32 $0xFFFFFFFF;
	p2 =	slt.u32 s8, $0xFFFFF086  }
0x1c: {  	p1 =	slt.u32 s9, $0xF7A;
	s5 =	simm.s32 @!p2 $0x0  }
0x1d: {  	s5 =	simm.s32 @p1 $0x1;
	p0 =	seq.s32 s7, s2  }
0x1e: {  	s7 =	smul.u32 @!p0 $0xF7A, s2;
	p2 =	seq.s32 @!p0 s5, $0x0  }
0x1f: {  	s9 =	smul.u32 $0xF7A, s1;
	s8 =	simm.s32 @!p0 $0x1BF5;
	p2 =	por !p2, p0  }
0x20: {  	[sflag:s8] =	ssyncset.s32 @!p0 $0xFFFFF086;
	s6 =	sadd.s32 @!p0 s3, s7;
	s7 =	simm.s32 @!p0 $0x108  }
0x21: {  	s3 =	sadd.s32 s3, s9;
	s6 =	sadd.s32 @!p0 $0x88, s6;
	s7 =	simm.s32 @p2 $0x1082  }
0x22: {  	[simem:s7], [sflag:s8] =	dma.local @!p0 [hbm:s6], $0xF7A  }
0x23: {  	s9 =	sor.u32 $0xD0000000, s2;
	s6 =	simm.s32 $0x108;
	_ =	swait.ge @!p0 [sflag:s8], $0x0  }
0x24: {  	s3 =	sadd.s32 $0x88, s3;
	s6 =	simm.s32 @!p1 $0x1082;
	[sflag:s4] =	ssyncset.s32 $0xFFFFF086  }
0x25: {  	[simem:s6], [sflag:s4] =	dma.local [hbm:s3], $0xF7A  }
0x26: {  	[smem:$0x3FA0] =	sst s1;
	(tag) =	ssettag s2;
	_ =	strace s9  }
0x27: {  	s1 =	sld [smem:$0x3FB0]  }
0x28: {  	s2 =	sld [smem:$0x3FB1]  }
0x29: {  	s4 =	sld [smem:$0x3FB3]  }
0x2a: {  	p0 =	seq.s32 s5, $0x0;
	s5 =	sld [smem:$0x3FB4]  }
0x2b: {  	s6 =	sld [smem:$0x3FB5]  }
0x2c: {  	s7 =	sld [smem:$0x3FB6]  }
0x2d: {  	s3 =	simm.s32 $0x108;
	s8 =	sld [smem:$0x3FB7]  }
0x2e: {  	s3 =	simm.s32 @!p0 $0x1082;
	s9 =	sld [smem:$0x3FB8]  }
0x2f: {  	lr =	sadd.s32 s0, s3;
	s0 =	sld [smem:$0x3FAF]  }
0x30: {  	s3 =	sld [smem:$0x3FB2]  }
0x31: {  	[smem:$0x3FBB] =	sst s10  }
0x32: {  	s10 =	sld [smem:$0x3FB9];
	_ =	sdelay $0x3  }
0x33: {  	p0 =	seq.s32 s10, $0x1;
	s10 =	sld [smem:$0x3FBB];
	_ =	sdelay $0x3  }
0x34: {  	[smem:$0x3FBB] =	sst s10  }
0x35: {  	s10 =	sld [smem:$0x3FBA];
	_ =	sdelay $0x3  }
0x36: {  	p1 =	seq.s32 s10, $0x1;
	s10 =	sld [smem:$0x3FBB];
	_ =	sdelay $0x3  }
0x37: {  	[smem:$0x3FBB] =	sst s10  }
0x38: {  	s10 =	sld [smem:$0x3FBC]  }
0x39: {  	_ = 	snop;
	(pc) =	sbr.ind lr, $3  }
0x3a: {  	_ = 	snop  }
0x3b: {  	_ = 	snop  }
0x3c: {  	p2 =	seq.s32 s10, $0x1;
	s10 =	sld [smem:$0x3FBB]  }
0x3d: {  	_ =	shalt  }
0x3e: {  	_ =	shalt  }
0x3f: {  	_ =	shalt  }
0x40: {  	_ =	shalt  }
0x41: {  	_ =	shalt  }
0x42: {  	_ =	shalt  }
0x43: {  	_ =	shalt  }
0x44: {  	_ =	shalt  }
0x45: {  	_ =	shalt  }
0x46: {  	_ =	shalt  }
0x47: {  	_ =	shalt  }
0x48: {  	_ =	shalt  }
0x49: {  	_ =	shalt  }
0x4a: {  	_ =	shalt  }
0x4b: {  	_ =	shalt  }
0x4c: {  	_ =	shalt  }
0x4d: {  	_ =	shalt  }
0x4e: {  	_ =	shalt  }
0x4f: {  	_ =	shalt  }
0x50: {  	_ =	shalt  }
0x51: {  	_ =	shalt  }
0x52: {  	_ =	shalt  }
0x53: {  	_ =	shalt  }
0x54: {  	_ =	shalt  }
0x55: {  	_ =	shalt  }
0x56: {  	_ =	shalt  }
0x57: {  	_ =	shalt  }
0x58: {  	_ =	shalt  }
0x59: {  	_ =	shalt  }
0x5a: {  	_ =	shalt  }
0x5b: {  	_ =	shalt  }
0x5c: {  	_ =	shalt  }
0x5d: {  	_ =	shalt  }
0x5e: {  	_ =	shalt  }
0x5f: {  	_ =	shalt  }
0x60: {  	_ =	shalt  }
0x61: {  	_ =	shalt  }
0x62: {  	_ =	shalt  }
0x63: {  	_ =	shalt  }
0x64: {  	_ =	shalt  }
0x65: {  	_ =	shalt  }
0x66: {  	_ =	shalt  }
0x67: {  	_ =	shalt  }
0x68: {  	_ =	shalt  }
0x69: {  	_ =	shalt  }
0x6a: {  	_ =	shalt  }
0x6b: {  	_ =	shalt  }
0x6c: {  	_ =	shalt  }
0x6d: {  	_ =	shalt  }
0x6e: {  	_ =	shalt  }
0x6f: {  	_ =	shalt  }
0x70: {  	_ =	shalt  }
0x71: {  	_ =	shalt  }
0x72: {  	_ =	shalt  }
0x73: {  	_ =	shalt  }
0x74: {  	_ =	shalt  }
0x75: {  	_ =	shalt  }
0x76: {  	_ =	shalt  }
0x77: {  	_ =	shalt  }
0x78: {  	_ =	shalt  }
0x79: {  	_ =	shalt  }
0x7a: {  	_ =	shalt  }
0x7b: {  	_ =	shalt  }
0x7c: {  	_ =	shalt  }
0x7d: {  	_ =	shalt  }
0x7e: {  	_ =	shalt  }
0x7f: {  	_ =	shalt  }
0x80: {  	_ =	shalt  }
0x81: {  	_ =	shalt  }
0x82: {  	_ =	shalt  }
0x83: {  	_ =	shalt  }
0x84: {  	_ =	shalt  }
0x85: {  	_ =	shalt  }
0x86: {  	_ =	shalt  }
0x87: {  	_ =	shalt  }
.Lfunc_end0:
.L_simem_size_0:
called_computation_lowered:
.L_overlay_start_0:
0x88: {  	s2 =	sld [smem:$0x3FD9]  }
0x89: {  	s3 =	sld [smem:$0x3FFE];
	_ =	sdelay $0x1  }
0x8a: {  	s1 =	srdreg.scid  }
0x8b: {  	s0 =	sand.u32 $0x1, s1  }
0x8c: {  	s18 =	sshll.u32 s0, $0xA;
	s2 =	sadd.s32 s3, s2  }
0x8d: {  	s2 =	sadd.s32 s2, s18  }
0x8e: {  	[smem:$0x3FC7] =	sst s2  }
0x8f: {  	_ = 	snop  }
0x90: {  	s2 =	sld [smem:$0x3FC9]  }
0x91: {  	s19 =	sld [smem:$0x3FD0];
	(tm) =	ssettm $0x1  }
0x92: {  	s4 =	sld [smem:$0x3FFB];
	_ =	sdelay $0x3  }
0x93: {  	_ =	strace s4  }
0x94: {  	s4 =	sld [smem:$0x3FFC];
	_ =	sdelay $0x3  }
0x95: {  	_ =	strace s4  }
0x96: {  	s4 =	sld [smem:$0x3FFD];
	_ =	sdelay $0x3  }
0x97: {  	_ =	strace s4  }
0x98: {  	_ =	strace $0x8FFFFFFF  }
0x99: {  	s20 =	sld [smem:$0x3FDB];
	_ =	sdelay $0x1  }
0x9a: {  	s5 =	simm.s32 $_scs_section_size  }
0x9b: {  	s6 =	simm.s32 $_size__tile_overlayer_lowered;
	s7 =	simm.s32 $_tile_overlayer_lowered  }
0x9c: {  	s23 =	simm.s32 $0x1BFF;
	s22 =	sshll.u32 s7, $0x1;
	s4 =	sadd.s32 s5, s20  }
0x9d: {  	s8 =	simm.s32 $0x0;
	s21 =	sshll.u32 s6, $0x1;
	s6 =	sadd.s32 s22, s4  }
0x9e: {  	[timem:s8], [sflag:s23] =	dma.local [hbm:s6], s21  }
0x9f: {  	_ =	swait.ge [sflag:s23], s21  }
0xa0: {  	s5 =	ssub.s32 $0x0, s21;
	[sflag:s23] =	ssyncset.done $0x0  }
0xa1: {  	[sflag:s23] =	ssyncadd.s32 s5;
	_ =	sdelay $0x1  }
0xa2: {  	s24 =	simm.s32 $0x1B8B  }
0xa3: {  	_ =	swait.ge [sflag:s24], $0x1  }
0xa4: {  	[sflag:s24] =	ssyncset.done $0x0  }
0xa5: {  	s25 =	simm.s32 $0x1B8E;
	[sflag:s24] =	ssyncadd.s32 $0xFFFFFFFF  }
0xa6: {  	s26 =	simm.s32 $execute0_lowered;
	[smem:$0x3FD2] =	sst s25  }
0xa7: {  	s5 =	sshll.u32 s26, $0x1;
	_ =	strace $0x80000046;
	[dreg:$0x1] =	wrdreg $0xFFFFFFFF  }
0xa8: {  	s28 =	simm.s32 $_size_execute0_lowered;
	s4 =	sadd.s32 s4, s5;
	[dreg:$0x0] =	wrdreg $0x0  }
0xa9: {  	s5 =	sshll.u32 s28, $0x1;
	[dreg:$0x2] =	wrdreg s4  }
0xaa: {  	[dreg:$0x3] =	wrdreg s5  }
0xab: {  	[dreg:$0x4] =	wrdreg $0xC0  }
0xac: {  	_ =	task [dreg:s8], $0x5FFFF  }
0xad: {  	[dreg:$0x1] =	wrdreg $0xFFFFFFFF  }
0xae: {  	[dreg:$0x0] =	wrdreg $0x60  }
0xaf: {  	[dreg:$0x2] =	wrdreg s2  }
0xb0: {  	[dreg:$0x3] =	wrdreg s19  }
0xb1: {  	[dreg:$0x4] =	wrdreg $0x9  }
0xb2: {  	_ =	task.clear_ibuf [dreg:s8], $0x5FFFF;
	_ =	strace $0x90000046  }
0xb3: {  	s29 =	simm.s32 $0x9;
	_ =	strace $0x80000048  }
0xb4: {  	_ =	swait.ge [sflag:s29], $0x1  }
0xb5: {  	[sflag:s29] =	ssyncadd.s32 $0xFFFFFFFF  }
0xb6: {  	_ =	strace $0x90000048  }
0xb7: {  	_ =	sfence  }
0xb8: {  	s30 =	sld [smem:$0x0];
	_ =	sdelay $0x2  }
0xb9: {  	s31 =	sshll.u32 s1, $0xD;
	s1 =	sshrl.u32 s1, $0x2  }
0xba: {  	s3 =	sand.u32 $0x4000, s31;
	s1 =	sadd.s32 s1, s30  }
0xbb: {  	s0 =	sor.u32 s3, s0;
	s1 =	sshll.u32 s1, $0x11  }
0xbc: {  	s0 =	sor.u32 s1, s0  }
0xbd: {  	s0 =	sadd.s32 $0x8F2B, s0  }
0xbe: {  	[sflag:s0] =	ssyncadd.remote.s32 $0x1  }
0xbf: {  	_ =	sfence.sel $0xFFFF  }
0xc0: {  	[dreg:$0x0] =	wrdreg $0xFFFFFFFF;
	(pc) =	sbr.abs _section_cstart, $3  }
0xc1: {  	[dreg:$0x1] =	wrdreg $0xFFFFFFFF  }
0xc2: {  	_ =	task.clear_ibuf [dreg:s8], $0x2FFFF;
	_ =	strace $0x9FFFFFFF  }
0xc3: {  	(tm) =	ssettm $0x7FFFFFFF  }
tec
execute0_lowered:
.L_overlay_start_1:
0x0: {  	(tag) =	ssettag $0x1  }
0x1: {  	s1 =	rddreg [dreg:$0x0]  }
0x2: {  	s2 =	rddreg [dreg:$0x1]  }
0x3: {  	s4 =	srdreg.scid;
	s0 =	rddreg [dreg:$0x2];
	s3 =	simm.s32 $0x0  }
0x4: {  	s8 =	simm.s32 $0x400;
	s9 =	simm.s32 $0x1;
	s5 =	sand.u32 $0x1, s4  }
0x5: {  	s10 =	simm.s32 $0x8000;
	[smem:$0x7FF] =	sst s3;
	s6 =	ssub.s32 $0x2, s5  }
0x6: {  	s4 =	stileid.u32;
	_ =	strace $0x80000047;
	s7 =	sshrl.u32 s6, $0x1  }
0x7: {  	s31 =	sshll.u32 s4, $0x8;
	s5 =	sshll.u32 s5, $0x7;
	s6 =	ssub.s32 s6, s7  }
0x8: {  	s5 =	sor.u32 s5, s31;
	s7 =	simm.s32 $0x80;
	s6 =	smax.u32 s6, $0x1  }
.LBB2_1:
0x9: {  	s11 =	simm.s32 $0x0  }
.LBB2_2:
0xa: {  	s12 =	sadd.s32 s5, s11  }
0xb: {  	s13 =	sshll.u32 s11, $0x4;
	s12 =	sshll.u32 s12, $0xC  }
0xc: {  	s13 =	sand.u32 $0x70, s13;
	s12 =	sand.u32 $0xFF8000, s12  }
0xd: {  	s12 =	sor.u32 s13, s12  }
0xe: {  	s14 =	simm.s32 $0x0;
	s13 =	sadd.s32 s1, s12  }
0xf: {  	[tilespmem:s14], [sflag:$0x1] =	stream.strided.gather [hbm4b:s13+s7], $0x8000, s8, s7, $0x38;
	[tilespmem:$0x10000] =	vst v63  }
0x10: {  	_ =	swait.ge [sflag:s9], $0x8000  }
0x11: {  	[sflag:s9] =	ssyncset.done $0x0  }
0x12: {  	s14 =	simm.s32 $0x0;
	[sflag:s9] =	ssyncadd.s32 $0xFFFF8000  }
0x13: {  	v0 =	vld [tilespmem:s14+$0x0];
	_ =	sdelay $0x1  }
0x14: {  	v1 =	vld [tilespmem:s14+$0x10];
	_ =	sdelay $0x1  }
0x15: {  	v2 =	vld [tilespmem:s14+$0x20]  }
0x16: {  	(xrf2) =	vadd.scan.msk.f32 $0xffff, v0;
	_ =	sdelay $0x1  }
0x17: {  	v0 =	vld [tilespmem:s14+$0x30];
	(xrf2) =	vadd.scan.msk.f32 $0xffff, v1;
	_ =	sdelay $0x1  }
0x18: {  	(xrf2) =	vadd.scan.msk.f32 $0xffff, v2;
	_ =	sdelay $0x1  }
0x19: {  	v1 =	vld [tilespmem:s14+$0x40]  }
0x1a: {  	v2 =	vld [tilespmem:s14+$0x50];
	(xrf2) =	vadd.scan.msk.f32 $0xffff, v0;
	_ =	sdelay $0x2  }
0x1b: {  	v4 =	vld [tilespmem:s14+$0x60];
	v3, _, _ =	vpop (xrf2)  }
0x1c: {  	(xrf2) =	vadd.scan.msk.f32 $0xffff, v1;
	(v2sf) =	vpush v3, $0xF  }
0x1d: {  	v5 =	vld [tilespmem:s14+$0x70];
	(xrf2) =	vadd.scan.msk.f32 $0xffff, v2;
	v1, _, _ =	vpop (xrf2)  }
0x1e: {  	(v2sf) =	vpush v1, $0xF  }
0x1f: {  	s13 =	simm.s32 $0x80;
	v2, _, _ =	vpop (xrf2)  }
0x20: {  	v7 =	vld [tilespmem:s13+$0x0];
	(xrf2) =	vadd.scan.msk.f32 $0xffff, v4;
	(v2sf) =	vpush v2, $0xF;
	_ =	sdelay $0x1  }
0x21: {  	v6, _, _ =	vpop (xrf2);
	(xrf2) =	vadd.scan.msk.f32 $0xffff, v5;
	_ =	sdelay $0x2  }
0x22: {  	v8 =	vld [tilespmem:s13+$0x10];
	(v2sf) =	vpush v6, $0xF;
	(xrf2) =	vadd.scan.msk.f32 $0xffff, v7  }
0x23: {  	v9, _, _ =	vpop (xrf2)  }
0x24: {  	v10 =	vld [tilespmem:s13+$0x20];
	(v2sf) =	vpush v9, $0xF;
	v0, _, _ =	vpop (xrf2)  }
0x25: {  	s15 =	simm.f32 $0.0e+00;
	(v2sf) =	vpush v0, $0xF  }
0x26: {  	v3 =	vadd.f32 s15, v3;
	v7 =	vld [tilespmem:s13+$0x30]  }
0x27: {  	(xrf2) =	vadd.scan.msk.f32 $0xffff, v8;
	v5, _, _ =	vpop (xrf2)  }
0x28: {  	[tilespmem:s14+$0x8000] =	vst v3;
	(v2sf) =	vpush v5, $0xF;
	s16 =	spop (v2sf)  }
0x29: {  	v8 =	vld [tilespmem:s13+$0x40];
	(xrf2) =	vadd.scan.msk.f32 $0xffff, v10;
	v4, _, _ =	vpop (xrf2);
	s15 =	sadd.f32 s16, s15  }
0x2a: {  	(v2sf) =	vpush v4, $0xF;
	s29 =	spop (v2sf)  }
0x2b: {  	(xrf2) =	vadd.scan.msk.f32 $0xffff, v7;
	v1 =	vadd.f32 s15, v1;
	s15 =	sadd.f32 s29, s15  }
0x2c: {  	v63 =	vld [tilespmem:s13+$0x50];
	v3, _, _ =	vpop (xrf2);
	s30 =	spop (v2sf)  }
0x2d: {  	(v2sf) =	vpush v3, $0xF;
	s16 =	sadd.f32 s30, s15  }
0x2e: {  	(xrf2) =	vadd.scan.msk.f32 $0xffff, v8;
	[tilespmem:s14+$0x8010] =	vst v1;
	v1 =	vadd.f32 s15, v2  }
0x2f: {  	v11 =	vld [tilespmem:s13+$0x60];
	v6 =	vadd.f32 s16, v6  }
0x30: {  	[tilespmem:s14+$0x8020] =	vst v1  }
0x31: {  	(xrf2) =	vadd.scan.msk.f32 $0xffff, v63;
	s31 =	spop (v2sf);
	v2, _, _ =	vpop (xrf2);
	[tilespmem:s14+$0x8030] =	vst v6  }
0x32: {  	(v2sf) =	vpush v2, $0xF;
	s15 =	sadd.f32 s31, s16;
	v7 =	vld [tilespmem:s13+$0x70]  }
0x33: {  	s17 =	spop (v2sf);
	s16 =	simm.s32 $0x600;
	v1, _, _ =	vpop (xrf2)  }
0x34: {  	s19 =	spop (v2sf);
	v6 =	vadd.f32 s15, v9;
	s18 =	sadd.f32 s17, s15;
	s15 =	simm.s32 $0x100;
	(v2sf) =	vpush v1, $0xF;
	(xrf2) =	vadd.scan.msk.f32 $0xffff, v11  }
.LBB2_3:
0x35: {  	p0 =	sne.s32 s16, $0x1FE00;
	v8 =	vld [tilespmem:s15+$0x0];
	v9, _, _ =	vpop (xrf2);
	s17 =	smov.u32 s16;
	s16 =	sadd.s32 $0x200, s16  }
0x36: {  	s19 =	sadd.f32 s19, s18  }
0x37: {  	v10 =	vld [tilespmem:s15+$0x10];
	(v2sf) =	vpush v9, $0xF;
	(xrf2) =	vadd.scan.msk.f32 $0xffff, v7;
	s20 =	spop (v2sf)  }
0x38: {  	v5 =	vadd.f32 s19, v5;
	v11, _, _ =	vpop (xrf2);
	s19 =	sadd.f32 s20, s19  }
0x39: {  	v7 =	vld [tilespmem:s15+$0x20];
	s20 =	spop (v2sf)  }
0x3a: {  	(xrf2) =	vadd.scan.msk.f32 $0xffff, v8;
	v8 =	vadd.f32 s18, v0;
	[tilespmem:s14+$0x8060] =	vst v5;
	v4 =	vadd.f32 s19, v4;
	s18 =	sadd.f32 s20, s19  }
0x3b: {  	(v2sf) =	vpush v11, $0xF;
	v0, _, _ =	vpop (xrf2);
	[tilespmem:s14+$0x8040] =	vst v6  }
0x3c: {  	v3 =	vadd.f32 s18, v3;
	s19 =	spop (v2sf);
	[tilespmem:s14+$0x8070] =	vst v4  }
0x3d: {  	v6 =	vld [tilespmem:s15+$0x30];
	(xrf2) =	vadd.scan.msk.f32 $0xffff, v10;
	(v2sf) =	vpush v0, $0xF;
	[tilespmem:s14+$0x8050] =	vst v8;
	s14 =	smov.u32 s13;
	s13 =	smov.u32 s15  }
0x3e: {  	[tilespmem:s14+$0x8000] =	vst v3;
	v5, _, _ =	vpop (xrf2);
	_ =	sdelay $0x1  }
0x3f: {  	s15 =	sadd.f32 s19, s18;
	v8 =	vld [tilespmem:s13+$0x40];
	(xrf2) =	vadd.scan.msk.f32 $0xffff, v7;
	(v2sf) =	vpush v5, $0xF  }
0x40: {  	s18 =	spop (v2sf);
	v4, _, _ =	vpop (xrf2)  }
0x41: {  	v2 =	vadd.f32 s15, v2;
	v10 =	vld [tilespmem:s13+$0x50];
	s15 =	sadd.f32 s18, s15;
	(v2sf) =	vpush v4, $0xF  }
0x42: {  	(xrf2) =	vadd.scan.msk.f32 $0xffff, v6;
	s18 =	spop (v2sf)  }
0x43: {  	v3, _, _ =	vpop (xrf2);
	[tilespmem:s14+$0x8010] =	vst v2;
	v1 =	vadd.f32 s15, v1;
	s15 =	sadd.f32 s18, s15  }
0x44: {  	(v2sf) =	vpush v3, $0xF  }
0x45: {  	v12 =	vld [tilespmem:s13+$0x60];
	(xrf2) =	vadd.scan.msk.f32 $0xffff, v8;
	[tilespmem:s14+$0x8020] =	vst v1;
	v1 =	vadd.f32 s15, v9;
	s18 =	spop (v2sf)  }
0x46: {  	v2, _, _ =	vpop (xrf2)  }
.Ltmp0:
0x47: {  	[tilespmem:s14+$0x8030] =	vst v1;
	(pc) =	sbr.rel @p0 .LBB2_3-.Ltmp0, $4  }
0x48: {  	s15 =	sadd.f32 s18, s15;
	v7 =	vld [tilespmem:s13+$0x70];
	(xrf2) =	vadd.scan.msk.f32 $0xffff, v10  }
0x49: {  	(v2sf) =	vpush v2, $0xF;
	v1, _, _ =	vpop (xrf2);
	s18 =	spop (v2sf)  }
0x4a: {  	v6 =	vadd.f32 s15, v11;
	s18 =	sadd.f32 s18, s15  }
0x4b: {  	s15 =	sshra.s32 s17, $0x2;
	(v2sf) =	vpush v1, $0xF;
	(xrf2) =	vadd.scan.msk.f32 $0xffff, v12;
	s19 =	spop (v2sf)  }
0x4c: {  	_ =	sdelay $0x1  }
0x4d: {  	s16 =	sadd.f32 s19, s18  }
0x4e: {  	v8 =	vld [tilespmem:s15+$0x0];
	s17 =	spop (v2sf)  }
0x4f: {  	v5 =	vadd.f32 s16, v5;
	s16 =	sadd.f32 s17, s16  }
0x50: {  	v9 =	vld [tilespmem:s15+$0x10];
	s30 =	spop (v2sf)  }
0x51: {  	v10 =	vld [tilespmem:s15+$0x20];
	[tilespmem:s14+$0x8040] =	vst v6;
	(xrf2) =	vadd.scan.msk.f32 $0xffff, v7;
	v4 =	vadd.f32 s16, v4;
	s16 =	sadd.f32 s30, s16  }
0x52: {  	v0 =	vadd.f32 s18, v0;
	[tilespmem:s14+$0x8060] =	vst v5  }
0x53: {  	v43, _, _ =	vpop (xrf2);
	(xrf2) =	vadd.scan.msk.f32 $0xffff, v8;
	[tilespmem:s14+$0x8070] =	vst v4;
	v3 =	vadd.f32 s16, v3  }
0x54: {  	(v2sf) =	vpush v43, $0xF;
	s31 =	spop (v2sf);
	v5 =	vld [tilespmem:s15+$0x30];
	[tilespmem:s14+$0x8050] =	vst v0  }
0x55: {  	v44, _, _ =	vpop (xrf2);
	(xrf2) =	vadd.scan.msk.f32 $0xffff, v9;
	s17 =	sadd.f32 s31, s16;
	[tilespmem:s13+$0x8000] =	vst v3  }
0x56: {  	(v2sf) =	vpush v44, $0xF;
	v3 =	vld [tilespmem:s15+$0x40]  }
0x57: {  	v45, _, _ =	vpop (xrf2);
	(xrf2) =	vadd.scan.msk.f32 $0xffff, v10;
	v2 =	vadd.f32 s17, v2;
	s18 =	spop (v2sf)  }
0x58: {  	(v2sf) =	vpush v45, $0xF;
	v46 =	vld [tilespmem:s15+$0x50];
	s14 =	sadd.f32 s18, s17  }
0x59: {  	v47, _, _ =	vpop (xrf2);
	[tilespmem:s13+$0x8010] =	vst v2;
	(xrf2) =	vadd.scan.msk.f32 $0xffff, v5;
	s19 =	spop (v2sf)  }
0x5a: {  	(v2sf) =	vpush v47, $0xF;
	v2 =	vld [tilespmem:s15+$0x60];
	s16 =	sadd.f32 s19, s14  }
0x5b: {  	v48, _, _ =	vpop (xrf2);
	(xrf2) =	vadd.scan.msk.f32 $0xffff, v3;
	v1 =	vadd.f32 s14, v1  }
0x5c: {  	(v2sf) =	vpush v48, $0xF;
	v4 =	vadd.f32 s16, v43  }
0x5d: {  	v49, _, _ =	vpop (xrf2);
	(xrf2) =	vadd.scan.msk.f32 $0xffff, v46;
	[tilespmem:s13+$0x8020] =	vst v1  }
0x5e: {  	(v2sf) =	vpush v49, $0xF;
	[tilespmem:s13+$0x8030] =	vst v4  }
0x5f: {  	v50, _, _ =	vpop (xrf2);
	(xrf2) =	vadd.scan.msk.f32 $0xffff, v2;
	v51 =	vld [tilespmem:s15+$0x70]  }
0x60: {  	(v2sf) =	vpush v50, $0xF  }
0x61: {  	v52, _, _ =	vpop (xrf2)  }
0x62: {  	(v2sf) =	vpush v52, $0xF  }
0x63: {  	s20 =	spop (v2sf);
	v53, _, _ =	vpop (xrf2)  }
0x64: {  	s14 =	sadd.f32 s20, s16;
	(v2sf) =	vpush v53, $0xF;
	(xrf2) =	vadd.scan.msk.f32 $0xffff, v51  }
0x65: {  	s21 =	spop (v2sf);
	v54, _, _ =	vpop (xrf2)  }
0x66: {  	s16 =	sadd.f32 s21, s14;
	(v2sf) =	vpush v54, $0xF  }
0x67: {  	s22 =	spop (v2sf);
	v55, _, _ =	vpop (xrf2)  }
0x68: {  	s17 =	sadd.f32 s22, s16;
	(v2sf) =	vpush v55, $0xF  }
0x69: {  	s23 =	spop (v2sf);
	v56, _, _ =	vpop (xrf2)  }
0x6a: {  	s18 =	sadd.f32 s23, s17;
	(v2sf) =	vpush v56, $0xF  }
0x6b: {  	s24 =	spop (v2sf)  }
0x6c: {  	s19 =	sadd.f32 s24, s18  }
0x6d: {  	s20 =	spop (v2sf)  }
0x6e: {  	s20 =	sadd.f32 s20, s19;
	v11, _, _ =	vpop (xrf2)  }
0x6f: {  	s21 =	spop (v2sf);
	(v2sf) =	vpush v11, $0xF  }
0x70: {  	s21 =	sadd.f32 s21, s20  }
0x71: {  	v0 =	vadd.f32 s14, v44;
	s22 =	spop (v2sf)  }
0x72: {  	v6 =	vadd.f32 s16, v45;
	s25 =	sadd.f32 s22, s21  }
0x73: {  	[tilespmem:s13+$0x8040] =	vst v0;
	v8 =	vadd.f32 s17, v47;
	s26 =	spop (v2sf)  }
0x74: {  	[tilespmem:s13+$0x8050] =	vst v6;
	v5 =	vadd.f32 s18, v48;
	s14 =	sadd.f32 s26, s25  }
0x75: {  	[tilespmem:s13+$0x8060] =	vst v8;
	v57 =	vadd.f32 s19, v49;
	s28 =	spop (v2sf)  }
0x76: {  	[tilespmem:s13+$0x8070] =	vst v5;
	v1 =	vadd.f32 s20, v50;
	s16 =	sadd.f32 s28, s14  }
0x77: {  	[tilespmem:s15+$0x8000] =	vst v57;
	v58 =	vadd.f32 s21, v52;
	s29 =	spop (v2sf)  }
0x78: {  	[tilespmem:s15+$0x8010] =	vst v1;
	v59 =	vadd.f32 s25, v53;
	s13 =	sadd.f32 s29, s16  }
0x79: {  	[tilespmem:s15+$0x8020] =	vst v58;
	v61 =	vadd.f32 s14, v54;
	s30 =	spop (v2sf)  }
0x7a: {  	[tilespmem:s15+$0x8030] =	vst v59;
	v63 =	vadd.f32 s16, v55;
	v60 =	vadd.f32 s13, v56;
	s13 =	sadd.f32 s30, s13  }
0x7b: {  	[tilespmem:s15+$0x8040] =	vst v61  }
0x7c: {  	s11 =	sadd.s32 $0x1, s11;
	[tilespmem:s15+$0x8050] =	vst v63;
	v62 =	vadd.f32 s13, v11  }
0x7d: {  	p0 =	sne.s32 s11, $0x80;
	[tilespmem:s15+$0x8060] =	vst v60  }
.Ltmp1:
0x7e: {  	s12 =	sadd.s32 s2, s12;
	[tilespmem:s15+$0x8070] =	vst v62;
	s31 =	spop (v2sf);
	(pc) =	sbr.rel @p0 .LBB2_2-.Ltmp1, $4  }
0x7f: {  	[hbm4b:s12+s7] =	stream.strided.scatter [tilespmem:s10], [sflag:$0x1], $0x8000, s8, s7, $0x38;
	[tilespmem:$0x10000] =	vst v63  }
0x80: {  	_ =	swait.ge [sflag:s9], $0x8000  }
0x81: {  	[sflag:s9] =	ssyncset.done $0x0  }
0x82: {  	[sflag:s9] =	ssyncadd.s32 $0xFFFF8000  }
0x83: {  	s3 =	sadd.s32 $0x1, s3  }
0x84: {  	p0 =	sne.s32 s3, s6  }
.Ltmp2:
0x85: {  	_ = 	snop;
	(pc) =	sbr.rel @p0 .LBB2_1-.Ltmp2, $1  }
0x86: {  	_ =	sdelay $0x3  }
0x87: {  	_ =	sfence.sel $0x180000  }
0x88: {  	[bflag:$0x0] =	sbarrier.arrive $0xFFFF  }
0x89: {  	p0 =	sne.s32 s4, $0x0;
	_ =	strace $0x90000047  }
0x8a: {  	s0 =	sadd.s32 @!p0 $0x100000, s0;
	[bflag:$0x2] =	sbarrier.arrive $0xFFFF  }
0x8b: {  	[sflag:s0] =	ssyncadd.tile.s32 @!p0 $0x1;
	_ =	shalt  }
.Lfunc_end2:
_tile_overlayer_lowered:
.L_overlay_start_2:
0x8c: {  	(tag) =	ssettag $0x2  }
0x8d: {  	s0 =	rddreg [dreg:$0x0];
	s2 =	stileid.u32  }
0x8e: {  	s1 =	rddreg [dreg:$0x1];
	p0 =	sne.s32 s2, $0x0  }
0x8f: {  	s3 =	rddreg [dreg:$0x2];
	[bflag:$0x3] =	sbarrier.arrive $0xFFFF;
	s2 =	simm.s32 @!p0 $0x1C01  }
0x90: {  	[timem:s3], [sflag:s2] =	dma.local @!p0 [hbm:s0], s1  }
0x91: {  	s0 =	simm.s32 @!p0 $0x1  }
0x92: {  	_ =	swait.ge @!p0 [sflag:s0], s1  }
0x93: {  	s1 =	ssub.s32 @!p0 $0x0, s1;
	[sflag:s0] =	ssyncset.done @!p0 $0x0  }
0x94: {  	[sflag:s0] =	ssyncadd.s32 @!p0 s1  }
0x95: {  	[bflag:$0x3] =	sbarrier.arrive $0xFFFF  }
0x96: {  	_ =	shalt  }

</sc_bundles>
